<compile_context>
chip_gen: v7x
topology: tpu7x:2x2x1
jax: 0.10.2.dev20260603
libtpu: 0.0.44.dev20260713+nightly
codegen_flags: <defaults>
</compile_context>

<pallas_src>
import functools

import jax
import jax.numpy as jnp
from jax import lax
from jax.experimental import pallas as pl
from jax.experimental.pallas import tpu as pltpu
from jax.experimental.pallas import tpu_sc as plsc

L = 16
NC, NS = 2, 16
NW = NC * NS
BATCH = 16384
FIELDS = 26
VOCAB = 1000000
BPW = BATCH // NW
KPW = BPW * FIELDS
QUARTERS = ((0, 7), (7, 13), (13, 20), (20, 26))
CHUNK = 62464
TAIL_OFF = NS * CHUNK
TAIL = VOCAB - TAIL_OFF


def _sc_call(xt, table, bias):
    mesh = plsc.VectorSubcoreMesh(
        core_axis_name="c", subcore_axis_name="s", num_cores=NC, num_subcores=NS
    )

    @functools.partial(
        pl.kernel,
        out_type=jax.ShapeDtypeStruct((BATCH,), jnp.float32),
        mesh=mesh,
        scratch_types=[
            pltpu.VMEM_SHARED((VOCAB,), jnp.float32),
            pltpu.VMEM((KPW,), jnp.int32),
            pltpu.VMEM((KPW,), jnp.float32),
            pltpu.VMEM((BPW,), jnp.float32),
            pltpu.VMEM((L,), jnp.float32),
            pltpu.SemaphoreType.DMA,
            pltpu.SemaphoreType.DMA,
            pltpu.SemaphoreType.DMA,
        ],
        compiler_params=pltpu.CompilerParams(
            disable_bounds_checks=True, needs_layout_passes=False
        ),
    )
    def k(x_hbm, table_hbm, bias_hbm, out_hbm,
          table_sh, idx_v, val_v, out_v, bias_v, sem_s, sem_g, sem_i):
        cid = lax.axis_index("c")
        sid = lax.axis_index("s")
        wid = sid * NC + cid
        stage = pltpu.async_copy(
            table_hbm.at[0, pl.ds(sid * CHUNK, CHUNK)],
            table_sh.at[pl.ds(sid * CHUNK, CHUNK)],
            sem_s,
        )
        col = pl.multiple_of(wid * BPW, 128)

        def _idx_dma(f, _):
            pltpu.async_copy(
                x_hbm.at[f, pl.ds(col, BPW)],
                idx_v.at[pl.ds(pl.multiple_of(f * BPW, 128), BPW)],
                sem_i,
            )
            return _

        lax.fori_loop(0, FIELDS, _idx_dma, None)
        bias_v[...] = jnp.zeros((L,), jnp.float32)
        pltpu.sync_copy(bias_hbm, bias_v.at[pl.ds(0, 1)])

        @pl.when(sid == 0)
        def _stage_tail():
            pltpu.sync_copy(
                table_hbm.at[0, pl.ds(TAIL_OFF, TAIL)], val_v.at[pl.ds(0, TAIL)]
            )
            pltpu.sync_copy(
                val_v.at[pl.ds(0, TAIL)], table_sh.at[pl.ds(TAIL_OFF, TAIL)]
            )

        pltpu.make_async_copy(x_hbm.at[0, pl.ds(0, KPW)], idx_v, sem_i).wait()
        stage.wait()
        plsc.subcore_barrier()
        gathers = []
        for f_lo, f_hi in QUARTERS:
            o, n = f_lo * BPW, (f_hi - f_lo) * BPW
            gathers.append(
                pltpu.async_copy(
                    table_sh.at[idx_v.at[pl.ds(o, n)]],
                    val_v.at[pl.ds(o, n)],
                    sem_g,
                )
            )
        bvec = jnp.full((L,), jnp.sum(bias_v[...]), dtype=jnp.float32)
        for q, (f_lo, f_hi) in enumerate(QUARTERS):
            gathers[q].wait()

            def _chunk(c, _, q=q, f_lo=f_lo, f_hi=f_hi):
                o = c * L
                acc = bvec if q == 0 else out_v[pl.ds(o, L)]
                for f in range(f_lo, f_hi):
                    acc = acc + val_v[pl.ds(f * BPW + o, L)]
                out_v[pl.ds(o, L)] = acc
                return _

            lax.fori_loop(0, BPW // L, _chunk, None)
        pltpu.sync_copy(out_v, out_hbm.at[pl.ds(wid * BPW, BPW)])

    return k(xt, table, bias)


def kernel(x, fc_weight, bias):
    xt = x.T
    table = fc_weight.T
    out = _sc_call(xt, table, bias)
    return out.reshape(BATCH, 1)

# --- scband reference (transcript-rebuilt; emitter-appended) ---
"""Pipeline reference for scband-features-linear-73426760892778 (READ-ONLY COPY).

The authoritative reference and input builder live on the scoring server;
editing this copy changes nothing except your own understanding.
"""

import jax, jax.numpy as jnp
import numpy as np

VOCAB = 1000000
OUT_DIM = 1
BATCH = 16384
FIELDS = 26

def setup_inputs(seed: int = 0) -> dict:
    key = jax.random.key(seed)
    k1, k2 = jax.random.split(key)
    x = jax.random.randint(k1, (BATCH, FIELDS), 0, VOCAB, dtype=jnp.int64 if jax.config.jax_enable_x64 else jnp.int32).astype(jnp.int32)
    fc_weight = jax.random.normal(k2, (VOCAB, OUT_DIM), dtype=jnp.float32) * 0.01
    bias = jnp.zeros((OUT_DIM,), dtype=jnp.float32)
    return {"x": x, "fc_weight": fc_weight, "bias": bias}

def reference(x, fc_weight, bias):
    # nn.Embedding lookup: gather rows of fc_weight by x -> [B, F, OUT_DIM]
    emb = jnp.take(fc_weight, x, axis=0)
    # sum over fields dim, add bias -> [B, OUT_DIM]
    return jnp.sum(emb, axis=1) + bias

if __name__ == "__main__":
    import jax
    _d = setup_inputs()
    print(jax.jit(kernel)(*tuple(_d.values())))

</pallas_src>

<mosaic_0001>
#map = affine_map<(d0, d1) -> (0, 0)>
#map1 = affine_map<(d0, d1) -> (0)>
module attributes {stable_mosaic.version = 14 : i64} {
  func.func @k(%arg0: i32, %arg1: i32, %arg2: memref<26x16384xi32, #tpu.memory_space<hbm>>, %arg3: memref<1x1000000xf32, #tpu.memory_space<hbm>>, %arg4: memref<1xf32, #tpu.memory_space<hbm>>, %arg5: memref<16384xf32, #tpu.memory_space<hbm>>, %arg6: memref<1000000xf32, #tpu.memory_space<vmem_shared>>, %arg7: memref<13312xi32, #tpu.memory_space<vmem>>, %arg8: memref<13312xf32, #tpu.memory_space<vmem>>, %arg9: memref<512xf32, #tpu.memory_space<vmem>>, %arg10: memref<16xf32, #tpu.memory_space<vmem>>, %arg11: memref<!tpu.dma_semaphore, #tpu.memory_space<semaphore_mem>>, %arg12: memref<!tpu.dma_semaphore, #tpu.memory_space<semaphore_mem>>, %arg13: memref<!tpu.dma_semaphore, #tpu.memory_space<semaphore_mem>>) attributes {dimension_semantics = [#tpu.dimension_semantics<core_parallel>, #tpu.dimension_semantics<subcore_parallel>], iteration_bounds = array<i64: 2, 16>, scalar_prefetch = 0 : i64, scratch_operands = 8 : i64, tpu.core_type = #tpu.core_type<sc_vector_subcore>, window_params = [{transform_indices = #map}, {transform_indices = #map}, {transform_indices = #map1}, {transform_indices = #map1}]} {
    %mul3A = arith.constant 2 : i32
    %mul3A_0 = arith.muli %arg1, %mul3A : i32
    %add3A = arith.addi %mul3A_0, %arg0 : i32
    %mul3A_1 = arith.constant 62464 : i32
    %mul3A_2 = arith.muli %arg1, %mul3A_1 : i32
    %mul3A_3 = arith.constant 62464 : i32
    %mul3A_4 = arith.muli %arg1, %mul3A_3 : i32
    %dma_start3A = arith.constant 0 : i32
    %dma_start3A_5 = tpu.memref_slice %arg6[%mul3A_4] : memref<1000000xf32, #tpu.memory_space<vmem_shared>> -> memref<62464xf32, #tpu.memory_space<vmem_shared>>
    %dma_start3A_6 = tpu.memref_slice %arg3[%dma_start3A, %mul3A_2] : memref<1x1000000xf32, #tpu.memory_space<hbm>> -> memref<1x62464xf32, #tpu.memory_space<hbm>>
    %dma_start3A_7 = tpu.memref_squeeze %dma_start3A_6 : memref<1x62464xf32, #tpu.memory_space<hbm>> -> memref<62464xf32, #tpu.memory_space<hbm>>
    tpu.enqueue_dma source(%dma_start3A_7 : memref<62464xf32, #tpu.memory_space<hbm>>) target(%dma_start3A_5 : memref<62464xf32, #tpu.memory_space<vmem_shared>>) target_semaphore(%arg11 : memref<!tpu.dma_semaphore, #tpu.memory_space<semaphore_mem>>)
    %mul3A_8 = arith.constant 512 : i32
    %mul3A_9 = arith.muli %add3A, %mul3A_8 : i32
    %multiple_of3A = tpu.assume_multiple %mul3A_9, 128 : i32
    %scan3A = arith.constant 0 : i32
    %scan3A_10 = arith.constant 26 : i32
    %scan3A_11 = arith.addi %scan3A, %scan3A_10 : i32
    %scan3A_12 = arith.constant 1 : i32
    scf.for %scan3A_103 = %scan3A to %scan3A_11 step %scan3A_12  : i32 {
      %mul3A_104 = arith.constant 512 : i32
      %mul3A_105 = arith.muli %scan3A_103, %mul3A_104 : i32
      %multiple_of3A_106 = tpu.assume_multiple %mul3A_105, 128 : i32
      %dma_start3A_107 = tpu.memref_slice %arg7[%multiple_of3A_106] : memref<13312xi32, #tpu.memory_space<vmem>> -> memref<512xi32, #tpu.memory_space<vmem>>
      %dma_start3A_108 = tpu.memref_slice %arg2[%scan3A_103, %multiple_of3A] : memref<26x16384xi32, #tpu.memory_space<hbm>> -> memref<1x512xi32, #tpu.memory_space<hbm>>
      %dma_start3A_109 = tpu.memref_squeeze %dma_start3A_108 : memref<1x512xi32, #tpu.memory_space<hbm>> -> memref<512xi32, #tpu.memory_space<hbm>>
      %dma_start3A_110 = tpu.memref_slice %arg7[%multiple_of3A_106] : memref<13312xi32, #tpu.memory_space<vmem>> -> memref<512xi32, #tpu.memory_space<vmem>>
      %dma_start3A_111 = tpu.memref_slice %arg2[%scan3A_103, %multiple_of3A] : memref<26x16384xi32, #tpu.memory_space<hbm>> -> memref<1x512xi32, #tpu.memory_space<hbm>>
      %dma_start3A_112 = tpu.memref_squeeze %dma_start3A_111 : memref<1x512xi32, #tpu.memory_space<hbm>> -> memref<512xi32, #tpu.memory_space<hbm>>
      tpu.enqueue_dma source(%dma_start3A_112 : memref<512xi32, #tpu.memory_space<hbm>>) target(%dma_start3A_110 : memref<512xi32, #tpu.memory_space<vmem>>) target_semaphore(%arg13 : memref<!tpu.dma_semaphore, #tpu.memory_space<semaphore_mem>>)
    }
    %scan3A_13 = arith.constant 26 : i32
    %broadcast_in_dim3A = arith.constant 0.000000e+00 : f32
    %broadcast_in_dim3A_14 = vector.broadcast %broadcast_in_dim3A : f32 to vector<16xf32>
    %swap3A = arith.constant 0 : index
    %swap3A_15 = tpu.vector_load %arg10[%swap3A] {strides = array<i32>} : memref<16xf32, #tpu.memory_space<vmem>>, vector<16xf32>,
    tpu.vector_store %arg10[%swap3A], %broadcast_in_dim3A_14 {strides = array<i32>} : memref<16xf32, #tpu.memory_space<vmem>>, vector<16xf32>,
    "tpu.region"() ({
      %run_scoped3A = tpu.sem_alloc : memref<!tpu.dma_semaphore, #tpu.memory_space<semaphore_mem>>
      %dma_start3A_103 = arith.constant 0 : i32
      %dma_start3A_104 = tpu.memref_slice %arg10[%dma_start3A_103] : memref<16xf32, #tpu.memory_space<vmem>> -> memref<1xf32, #tpu.memory_space<vmem>>
      %dma_start3A_105 = arith.constant 0 : i32
      %dma_start3A_106 = tpu.memref_slice %arg10[%dma_start3A_105] : memref<16xf32, #tpu.memory_space<vmem>> -> memref<1xf32, #tpu.memory_space<vmem>>
      tpu.enqueue_dma source(%arg4 : memref<1xf32, #tpu.memory_space<hbm>>) target(%dma_start3A_106 : memref<1xf32, #tpu.memory_space<vmem>>) target_semaphore(%run_scoped3A : memref<!tpu.dma_semaphore, #tpu.memory_space<semaphore_mem>>)
      %dma_wait3A_107 = arith.constant 0 : i32
      %dma_wait3A_108 = tpu.memref_slice %arg10[%dma_wait3A_107] : memref<16xf32, #tpu.memory_space<vmem>> -> memref<1xf32, #tpu.memory_space<vmem>>
      %dma_wait3A_109 = arith.constant 0 : i32
      %dma_wait3A_110 = tpu.memref_slice %arg10[%dma_wait3A_109] : memref<16xf32, #tpu.memory_space<vmem>> -> memref<1xf32, #tpu.memory_space<vmem>>
      tpu.wait_dma2 semaphore(%run_scoped3A : memref<!tpu.dma_semaphore, #tpu.memory_space<semaphore_mem>>) src(%arg4 : memref<1xf32, #tpu.memory_space<hbm>>) dst(%dma_wait3A_110 : memref<1xf32, #tpu.memory_space<vmem>>)
      tpu.yield
    }) : () -> ()
    %eq3A = arith.constant 0 : i32
    %eq3A_16 = arith.cmpi eq, %arg1, %eq3A : i32
    %convert_element_type3A = arith.extui %eq3A_16 : i1 to i32
    %cond3A = arith.constant 0 : i32
    %cond3A_17 = arith.cmpi ne, %convert_element_type3A, %cond3A : i32
    scf.if %cond3A_17 {
      %run_scoped3A = arith.constant 0 : i32
      "tpu.region"() ({
        %run_scoped3A_103 = tpu.sem_alloc : memref<!tpu.dma_semaphore, #tpu.memory_space<semaphore_mem>>
        %dma_start3A_104 = arith.constant 0 : i32
        %dma_start3A_105 = tpu.memref_slice %arg8[%dma_start3A_104] : memref<13312xf32, #tpu.memory_space<vmem>> -> memref<576xf32, #tpu.memory_space<vmem>>
        %dma_start3A_106 = arith.constant 999424 : i32
        %dma_start3A_107 = tpu.memref_slice %arg3[%run_scoped3A, %dma_start3A_106] : memref<1x1000000xf32, #tpu.memory_space<hbm>> -> memref<1x576xf32, #tpu.memory_space<hbm>>
        %dma_start3A_108 = tpu.memref_squeeze %dma_start3A_107 : memref<1x576xf32, #tpu.memory_space<hbm>> -> memref<576xf32, #tpu.memory_space<hbm>>
        %dma_start3A_109 = arith.constant 0 : i32
        %dma_start3A_110 = tpu.memref_slice %arg8[%dma_start3A_109] : memref<13312xf32, #tpu.memory_space<vmem>> -> memref<576xf32, #tpu.memory_space<vmem>>
        %dma_start3A_111 = arith.constant 999424 : i32
        %dma_start3A_112 = tpu.memref_slice %arg3[%run_scoped3A, %dma_start3A_111] : memref<1x1000000xf32, #tpu.memory_space<hbm>> -> memref<1x576xf32, #tpu.memory_space<hbm>>
        %dma_start3A_113 = tpu.memref_squeeze %dma_start3A_112 : memref<1x576xf32, #tpu.memory_space<hbm>> -> memref<576xf32, #tpu.memory_space<hbm>>
        tpu.enqueue_dma source(%dma_start3A_113 : memref<576xf32, #tpu.memory_space<hbm>>) target(%dma_start3A_110 : memref<576xf32, #tpu.memory_space<vmem>>) target_semaphore(%run_scoped3A_103 : memref<!tpu.dma_semaphore, #tpu.memory_space<semaphore_mem>>)
        %dma_wait3A_114 = arith.constant 0 : i32
        %dma_wait3A_115 = tpu.memref_slice %arg8[%dma_wait3A_114] : memref<13312xf32, #tpu.memory_space<vmem>> -> memref<576xf32, #tpu.memory_space<vmem>>
        %dma_wait3A_116 = arith.constant 999424 : i32
        %dma_wait3A_117 = tpu.memref_slice %arg3[%run_scoped3A, %dma_wait3A_116] : memref<1x1000000xf32, #tpu.memory_space<hbm>> -> memref<1x576xf32, #tpu.memory_space<hbm>>
        %dma_wait3A_118 = tpu.memref_squeeze %dma_wait3A_117 : memref<1x576xf32, #tpu.memory_space<hbm>> -> memref<576xf32, #tpu.memory_space<hbm>>
        %dma_wait3A_119 = arith.constant 0 : i32
        %dma_wait3A_120 = tpu.memref_slice %arg8[%dma_wait3A_119] : memref<13312xf32, #tpu.memory_space<vmem>> -> memref<576xf32, #tpu.memory_space<vmem>>
        %dma_wait3A_121 = arith.constant 999424 : i32
        %dma_wait3A_122 = tpu.memref_slice %arg3[%run_scoped3A, %dma_wait3A_121] : memref<1x1000000xf32, #tpu.memory_space<hbm>> -> memref<1x576xf32, #tpu.memory_space<hbm>>
        %dma_wait3A_123 = tpu.memref_squeeze %dma_wait3A_122 : memref<1x576xf32, #tpu.memory_space<hbm>> -> memref<576xf32, #tpu.memory_space<hbm>>
        tpu.wait_dma2 semaphore(%run_scoped3A_103 : memref<!tpu.dma_semaphore, #tpu.memory_space<semaphore_mem>>) src(%dma_wait3A_123 : memref<576xf32, #tpu.memory_space<hbm>>) dst(%dma_wait3A_120 : memref<576xf32, #tpu.memory_space<vmem>>)
        tpu.yield
      }) : () -> ()
      "tpu.region"() ({
        %run_scoped3A_103 = tpu.sem_alloc : memref<!tpu.dma_semaphore, #tpu.memory_space<semaphore_mem>>
        %dma_start3A_104 = arith.constant 0 : i32
        %dma_start3A_105 = tpu.memref_slice %arg8[%dma_start3A_104] : memref<13312xf32, #tpu.memory_space<vmem>> -> memref<576xf32, #tpu.memory_space<vmem>>
        %dma_start3A_106 = arith.constant 999424 : i32
        %dma_start3A_107 = tpu.memref_slice %arg6[%dma_start3A_106] : memref<1000000xf32, #tpu.memory_space<vmem_shared>> -> memref<576xf32, #tpu.memory_space<vmem_shared>>
        %dma_start3A_108 = arith.constant 999424 : i32
        %dma_start3A_109 = tpu.memref_slice %arg6[%dma_start3A_108] : memref<1000000xf32, #tpu.memory_space<vmem_shared>> -> memref<576xf32, #tpu.memory_space<vmem_shared>>
        %dma_start3A_110 = arith.constant 0 : i32
        %dma_start3A_111 = tpu.memref_slice %arg8[%dma_start3A_110] : memref<13312xf32, #tpu.memory_space<vmem>> -> memref<576xf32, #tpu.memory_space<vmem>>
        tpu.enqueue_dma source(%dma_start3A_111 : memref<576xf32, #tpu.memory_space<vmem>>) target(%dma_start3A_109 : memref<576xf32, #tpu.memory_space<vmem_shared>>) target_semaphore(%run_scoped3A_103 : memref<!tpu.dma_semaphore, #tpu.memory_space<semaphore_mem>>)
        %dma_wait3A_112 = arith.constant 0 : i32
        %dma_wait3A_113 = tpu.memref_slice %arg8[%dma_wait3A_112] : memref<13312xf32, #tpu.memory_space<vmem>> -> memref<576xf32, #tpu.memory_space<vmem>>
        %dma_wait3A_114 = arith.constant 999424 : i32
        %dma_wait3A_115 = tpu.memref_slice %arg6[%dma_wait3A_114] : memref<1000000xf32, #tpu.memory_space<vmem_shared>> -> memref<576xf32, #tpu.memory_space<vmem_shared>>
        %dma_wait3A_116 = arith.constant 999424 : i32
        %dma_wait3A_117 = tpu.memref_slice %arg6[%dma_wait3A_116] : memref<1000000xf32, #tpu.memory_space<vmem_shared>> -> memref<576xf32, #tpu.memory_space<vmem_shared>>
        %dma_wait3A_118 = arith.constant 0 : i32
        %dma_wait3A_119 = tpu.memref_slice %arg8[%dma_wait3A_118] : memref<13312xf32, #tpu.memory_space<vmem>> -> memref<576xf32, #tpu.memory_space<vmem>>
        tpu.wait_dma2 semaphore(%run_scoped3A_103 : memref<!tpu.dma_semaphore, #tpu.memory_space<semaphore_mem>>) src(%dma_wait3A_119 : memref<576xf32, #tpu.memory_space<vmem>>) dst(%dma_wait3A_117 : memref<576xf32, #tpu.memory_space<vmem_shared>>)
        tpu.yield
      }) : () -> ()
    } else {
    }
    %dma_wait3A = arith.constant 0 : i32
    %dma_wait3A_18 = arith.constant 0 : i32
    %dma_wait3A_19 = tpu.memref_slice %arg2[%dma_wait3A, %dma_wait3A_18] : memref<26x16384xi32, #tpu.memory_space<hbm>> -> memref<1x13312xi32, #tpu.memory_space<hbm>>
    %dma_wait3A_20 = tpu.memref_squeeze %dma_wait3A_19 : memref<1x13312xi32, #tpu.memory_space<hbm>> -> memref<13312xi32, #tpu.memory_space<hbm>>
    %dma_wait3A_21 = arith.constant 0 : i32
    %dma_wait3A_22 = tpu.memref_slice %arg2[%dma_wait3A, %dma_wait3A_21] : memref<26x16384xi32, #tpu.memory_space<hbm>> -> memref<1x13312xi32, #tpu.memory_space<hbm>>
    %dma_wait3A_23 = tpu.memref_squeeze %dma_wait3A_22 : memref<1x13312xi32, #tpu.memory_space<hbm>> -> memref<13312xi32, #tpu.memory_space<hbm>>
    tpu.wait_dma2 semaphore(%arg13 : memref<!tpu.dma_semaphore, #tpu.memory_space<semaphore_mem>>) src(%dma_wait3A_23 : memref<13312xi32, #tpu.memory_space<hbm>>) dst(%arg7 : memref<13312xi32, #tpu.memory_space<vmem>>)
    %dma_wait3A_24 = arith.constant 0 : i32
    %dma_wait3A_25 = tpu.memref_slice %arg6[%mul3A_4] : memref<1000000xf32, #tpu.memory_space<vmem_shared>> -> memref<62464xf32, #tpu.memory_space<vmem_shared>>
    %dma_wait3A_26 = tpu.memref_slice %arg3[%dma_wait3A_24, %mul3A_2] : memref<1x1000000xf32, #tpu.memory_space<hbm>> -> memref<1x62464xf32, #tpu.memory_space<hbm>>
    %dma_wait3A_27 = tpu.memref_squeeze %dma_wait3A_26 : memref<1x62464xf32, #tpu.memory_space<hbm>> -> memref<62464xf32, #tpu.memory_space<hbm>>
    tpu.wait_dma2 semaphore(%arg11 : memref<!tpu.dma_semaphore, #tpu.memory_space<semaphore_mem>>) src(%dma_wait3A_27 : memref<62464xf32, #tpu.memory_space<hbm>>) dst(%dma_wait3A_25 : memref<62464xf32, #tpu.memory_space<vmem_shared>>)
    %barrier3A = arith.constant 0 : index
    tpu.barrier barrier_id(%barrier3A)
    %dma_start3A_28 = arith.constant 0 : i32
    %dma_start3A_29 = tpu.memref_slice %arg8[%dma_start3A_28] : memref<13312xf32, #tpu.memory_space<vmem>> -> memref<3584xf32, #tpu.memory_space<vmem>>
    %dma_start3A_30 = arith.constant 0 : i32
    %dma_start3A_31 = tpu.memref_slice %arg7[%dma_start3A_30] : memref<13312xi32, #tpu.memory_space<vmem>> -> memref<3584xi32, #tpu.memory_space<vmem>>
    %dma_start3A_32 = arith.constant 0 : i32
    %dma_start3A_33 = tpu.memref_slice %arg6[%dma_start3A_32] : memref<1000000xf32, #tpu.memory_space<vmem_shared>> -> memref<1000000xf32, #tpu.memory_space<vmem_shared>>
    tpu.enqueue_indirect_dma source(%dma_start3A_33 : memref<1000000xf32, #tpu.memory_space<vmem_shared>>) target(%dma_start3A_29 : memref<3584xf32, #tpu.memory_space<vmem>>) offsets(%dma_start3A_31 : memref<3584xi32, #tpu.memory_space<vmem>>) semaphore(%arg12 : memref<!tpu.dma_semaphore, #tpu.memory_space<semaphore_mem>>)
    %dma_start3A_34 = arith.constant 3584 : i32
    %dma_start3A_35 = tpu.memref_slice %arg8[%dma_start3A_34] : memref<13312xf32, #tpu.memory_space<vmem>> -> memref<3072xf32, #tpu.memory_space<vmem>>
    %dma_start3A_36 = arith.constant 3584 : i32
    %dma_start3A_37 = tpu.memref_slice %arg7[%dma_start3A_36] : memref<13312xi32, #tpu.memory_space<vmem>> -> memref<3072xi32, #tpu.memory_space<vmem>>
    %dma_start3A_38 = arith.constant 0 : i32
    %dma_start3A_39 = tpu.memref_slice %arg6[%dma_start3A_38] : memref<1000000xf32, #tpu.memory_space<vmem_shared>> -> memref<1000000xf32, #tpu.memory_space<vmem_shared>>
    tpu.enqueue_indirect_dma source(%dma_start3A_39 : memref<1000000xf32, #tpu.memory_space<vmem_shared>>) target(%dma_start3A_35 : memref<3072xf32, #tpu.memory_space<vmem>>) offsets(%dma_start3A_37 : memref<3072xi32, #tpu.memory_space<vmem>>) semaphore(%arg12 : memref<!tpu.dma_semaphore, #tpu.memory_space<semaphore_mem>>)
    %dma_start3A_40 = arith.constant 6656 : i32
    %dma_start3A_41 = tpu.memref_slice %arg8[%dma_start3A_40] : memref<13312xf32, #tpu.memory_space<vmem>> -> memref<3584xf32, #tpu.memory_space<vmem>>
    %dma_start3A_42 = arith.constant 6656 : i32
    %dma_start3A_43 = tpu.memref_slice %arg7[%dma_start3A_42] : memref<13312xi32, #tpu.memory_space<vmem>> -> memref<3584xi32, #tpu.memory_space<vmem>>
    %dma_start3A_44 = arith.constant 0 : i32
    %dma_start3A_45 = tpu.memref_slice %arg6[%dma_start3A_44] : memref<1000000xf32, #tpu.memory_space<vmem_shared>> -> memref<1000000xf32, #tpu.memory_space<vmem_shared>>
    tpu.enqueue_indirect_dma source(%dma_start3A_45 : memref<1000000xf32, #tpu.memory_space<vmem_shared>>) target(%dma_start3A_41 : memref<3584xf32, #tpu.memory_space<vmem>>) offsets(%dma_start3A_43 : memref<3584xi32, #tpu.memory_space<vmem>>) semaphore(%arg12 : memref<!tpu.dma_semaphore, #tpu.memory_space<semaphore_mem>>)
    %dma_start3A_46 = arith.constant 10240 : i32
    %dma_start3A_47 = tpu.memref_slice %arg8[%dma_start3A_46] : memref<13312xf32, #tpu.memory_space<vmem>> -> memref<3072xf32, #tpu.memory_space<vmem>>
    %dma_start3A_48 = arith.constant 10240 : i32
    %dma_start3A_49 = tpu.memref_slice %arg7[%dma_start3A_48] : memref<13312xi32, #tpu.memory_space<vmem>> -> memref<3072xi32, #tpu.memory_space<vmem>>
    %dma_start3A_50 = arith.constant 0 : i32
    %dma_start3A_51 = tpu.memref_slice %arg6[%dma_start3A_50] : memref<1000000xf32, #tpu.memory_space<vmem_shared>> -> memref<1000000xf32, #tpu.memory_space<vmem_shared>>
    tpu.enqueue_indirect_dma source(%dma_start3A_51 : memref<1000000xf32, #tpu.memory_space<vmem_shared>>) target(%dma_start3A_47 : memref<3072xf32, #tpu.memory_space<vmem>>) offsets(%dma_start3A_49 : memref<3072xi32, #tpu.memory_space<vmem>>) semaphore(%arg12 : memref<!tpu.dma_semaphore, #tpu.memory_space<semaphore_mem>>)
    %get3A = arith.constant 0 : index
    %get3A_52 = tpu.vector_load %arg10[%get3A] {strides = array<i32>} : memref<16xf32, #tpu.memory_space<vmem>>, vector<16xf32>,
    %reduce_sum3A = arith.constant true
    %reduce_sum3A_53 = vector.broadcast %reduce_sum3A : i1 to vector<16xi1>
    %reduce_sum3A_54 = tpu.scan <sum>, %get3A_52 masked %reduce_sum3A_53 : vector<16xf32>, vector<16xi1> -> vector<16xf32>
    %reduce_sum3A_55 = vector.extract %reduce_sum3A_54[15] : f32 from vector<16xf32>
    %broadcast_in_dim3A_56 = vector.broadcast %reduce_sum3A_55 : f32 to vector<16xf32>
    %dma_wait3A_57 = arith.constant 0 : i32
    %dma_wait3A_58 = tpu.memref_slice %arg8[%dma_wait3A_57] : memref<13312xf32, #tpu.memory_space<vmem>> -> memref<3584xf32, #tpu.memory_space<vmem>>
    %dma_wait3A_59 = arith.constant 0 : i32
    %dma_wait3A_60 = tpu.memref_slice %arg7[%dma_wait3A_59] : memref<13312xi32, #tpu.memory_space<vmem>> -> memref<3584xi32, #tpu.memory_space<vmem>>
    %dma_wait3A_61 = arith.constant 0 : i32
    %dma_wait3A_62 = tpu.memref_slice %arg6[%dma_wait3A_61] : memref<1000000xf32, #tpu.memory_space<vmem_shared>> -> memref<1000000xf32, #tpu.memory_space<vmem_shared>>
    tpu.wait_indirect_dma semaphore(%arg12 : memref<!tpu.dma_semaphore, #tpu.memory_space<semaphore_mem>>) src(%dma_wait3A_62 : memref<1000000xf32, #tpu.memory_space<vmem_shared>>) dst(%dma_wait3A_58 : memref<3584xf32, #tpu.memory_space<vmem>>)
    %scan3A_63 = arith.constant 0 : i32
    %scan3A_64 = arith.constant 32 : i32
    %scan3A_65 = arith.addi %scan3A_63, %scan3A_64 : i32
    %scan3A_66 = arith.constant 1 : i32
    scf.for %scan3A_103 = %scan3A_63 to %scan3A_65 step %scan3A_66  : i32 {
      %mul3A_104 = arith.constant 16 : i32
      %mul3A_105 = arith.muli %scan3A_103, %mul3A_104 : i32
      %add3A_106 = arith.constant 0 : i32
      %add3A_107 = arith.addi %add3A_106, %mul3A_105 : i32
      %get3A_108 = arith.index_cast %add3A_107 : i32 to index
      %get3A_109 = tpu.vector_load %arg8[%get3A_108] {strides = array<i32>} : memref<13312xf32, #tpu.memory_space<vmem>>, vector<16xf32>,
      %add3A_110 = arith.addf %broadcast_in_dim3A_56, %get3A_109 : vector<16xf32>
      %add3A_111 = arith.constant 512 : i32
      %add3A_112 = arith.addi %add3A_111, %mul3A_105 : i32
      %get3A_113 = arith.index_cast %add3A_112 : i32 to index
      %get3A_114 = tpu.vector_load %arg8[%get3A_113] {strides = array<i32>} : memref<13312xf32, #tpu.memory_space<vmem>>, vector<16xf32>,
      %add3A_115 = arith.addf %add3A_110, %get3A_114 : vector<16xf32>
      %add3A_116 = arith.constant 1024 : i32
      %add3A_117 = arith.addi %add3A_116, %mul3A_105 : i32
      %get3A_118 = arith.index_cast %add3A_117 : i32 to index
      %get3A_119 = tpu.vector_load %arg8[%get3A_118] {strides = array<i32>} : memref<13312xf32, #tpu.memory_space<vmem>>, vector<16xf32>,
      %add3A_120 = arith.addf %add3A_115, %get3A_119 : vector<16xf32>
      %add3A_121 = arith.constant 1536 : i32
      %add3A_122 = arith.addi %add3A_121, %mul3A_105 : i32
      %get3A_123 = arith.index_cast %add3A_122 : i32 to index
      %get3A_124 = tpu.vector_load %arg8[%get3A_123] {strides = array<i32>} : memref<13312xf32, #tpu.memory_space<vmem>>, vector<16xf32>,
      %add3A_125 = arith.addf %add3A_120, %get3A_124 : vector<16xf32>
      %add3A_126 = arith.constant 2048 : i32
      %add3A_127 = arith.addi %add3A_126, %mul3A_105 : i32
      %get3A_128 = arith.index_cast %add3A_127 : i32 to index
      %get3A_129 = tpu.vector_load %arg8[%get3A_128] {strides = array<i32>} : memref<13312xf32, #tpu.memory_space<vmem>>, vector<16xf32>,
      %add3A_130 = arith.addf %add3A_125, %get3A_129 : vector<16xf32>
      %add3A_131 = arith.constant 2560 : i32
      %add3A_132 = arith.addi %add3A_131, %mul3A_105 : i32
      %get3A_133 = arith.index_cast %add3A_132 : i32 to index
      %get3A_134 = tpu.vector_load %arg8[%get3A_133] {strides = array<i32>} : memref<13312xf32, #tpu.memory_space<vmem>>, vector<16xf32>,
      %add3A_135 = arith.addf %add3A_130, %get3A_134 : vector<16xf32>
      %add3A_136 = arith.constant 3072 : i32
      %add3A_137 = arith.addi %add3A_136, %mul3A_105 : i32
      %get3A_138 = arith.index_cast %add3A_137 : i32 to index
      %get3A_139 = tpu.vector_load %arg8[%get3A_138] {strides = array<i32>} : memref<13312xf32, #tpu.memory_space<vmem>>, vector<16xf32>,
      %add3A_140 = arith.addf %add3A_135, %get3A_139 : vector<16xf32>
      %swap3A_141 = arith.index_cast %mul3A_105 : i32 to index
      %swap3A_142 = tpu.vector_load %arg9[%swap3A_141] {strides = array<i32>} : memref<512xf32, #tpu.memory_space<vmem>>, vector<16xf32>,
      tpu.vector_store %arg9[%swap3A_141], %add3A_140 {strides = array<i32>} : memref<512xf32, #tpu.memory_space<vmem>>, vector<16xf32>,
    }
    %scan3A_67 = arith.constant 32 : i32
    %dma_wait3A_68 = arith.constant 3584 : i32
    %dma_wait3A_69 = tpu.memref_slice %arg8[%dma_wait3A_68] : memref<13312xf32, #tpu.memory_space<vmem>> -> memref<3072xf32, #tpu.memory_space<vmem>>
    %dma_wait3A_70 = arith.constant 3584 : i32
    %dma_wait3A_71 = tpu.memref_slice %arg7[%dma_wait3A_70] : memref<13312xi32, #tpu.memory_space<vmem>> -> memref<3072xi32, #tpu.memory_space<vmem>>
    %dma_wait3A_72 = arith.constant 0 : i32
    %dma_wait3A_73 = tpu.memref_slice %arg6[%dma_wait3A_72] : memref<1000000xf32, #tpu.memory_space<vmem_shared>> -> memref<1000000xf32, #tpu.memory_space<vmem_shared>>
    tpu.wait_indirect_dma semaphore(%arg12 : memref<!tpu.dma_semaphore, #tpu.memory_space<semaphore_mem>>) src(%dma_wait3A_73 : memref<1000000xf32, #tpu.memory_space<vmem_shared>>) dst(%dma_wait3A_69 : memref<3072xf32, #tpu.memory_space<vmem>>)
    %scan3A_74 = arith.constant 0 : i32
    %scan3A_75 = arith.constant 32 : i32
    %scan3A_76 = arith.addi %scan3A_74, %scan3A_75 : i32
    %scan3A_77 = arith.constant 1 : i32
    scf.for %scan3A_103 = %scan3A_74 to %scan3A_76 step %scan3A_77  : i32 {
      %mul3A_104 = arith.constant 16 : i32
      %mul3A_105 = arith.muli %scan3A_103, %mul3A_104 : i32
      %get3A_106 = arith.index_cast %mul3A_105 : i32 to index
      %get3A_107 = tpu.vector_load %arg9[%get3A_106] {strides = array<i32>} : memref<512xf32, #tpu.memory_space<vmem>>, vector<16xf32>,
      %add3A_108 = arith.constant 3584 : i32
      %add3A_109 = arith.addi %add3A_108, %mul3A_105 : i32
      %get3A_110 = arith.index_cast %add3A_109 : i32 to index
      %get3A_111 = tpu.vector_load %arg8[%get3A_110] {strides = array<i32>} : memref<13312xf32, #tpu.memory_space<vmem>>, vector<16xf32>,
      %add3A_112 = arith.addf %get3A_107, %get3A_111 : vector<16xf32>
      %add3A_113 = arith.constant 4096 : i32
      %add3A_114 = arith.addi %add3A_113, %mul3A_105 : i32
      %get3A_115 = arith.index_cast %add3A_114 : i32 to index
      %get3A_116 = tpu.vector_load %arg8[%get3A_115] {strides = array<i32>} : memref<13312xf32, #tpu.memory_space<vmem>>, vector<16xf32>,
      %add3A_117 = arith.addf %add3A_112, %get3A_116 : vector<16xf32>
      %add3A_118 = arith.constant 4608 : i32
      %add3A_119 = arith.addi %add3A_118, %mul3A_105 : i32
      %get3A_120 = arith.index_cast %add3A_119 : i32 to index
      %get3A_121 = tpu.vector_load %arg8[%get3A_120] {strides = array<i32>} : memref<13312xf32, #tpu.memory_space<vmem>>, vector<16xf32>,
      %add3A_122 = arith.addf %add3A_117, %get3A_121 : vector<16xf32>
      %add3A_123 = arith.constant 5120 : i32
      %add3A_124 = arith.addi %add3A_123, %mul3A_105 : i32
      %get3A_125 = arith.index_cast %add3A_124 : i32 to index
      %get3A_126 = tpu.vector_load %arg8[%get3A_125] {strides = array<i32>} : memref<13312xf32, #tpu.memory_space<vmem>>, vector<16xf32>,
      %add3A_127 = arith.addf %add3A_122, %get3A_126 : vector<16xf32>
      %add3A_128 = arith.constant 5632 : i32
      %add3A_129 = arith.addi %add3A_128, %mul3A_105 : i32
      %get3A_130 = arith.index_cast %add3A_129 : i32 to index
      %get3A_131 = tpu.vector_load %arg8[%get3A_130] {strides = array<i32>} : memref<13312xf32, #tpu.memory_space<vmem>>, vector<16xf32>,
      %add3A_132 = arith.addf %add3A_127, %get3A_131 : vector<16xf32>
      %add3A_133 = arith.constant 6144 : i32
      %add3A_134 = arith.addi %add3A_133, %mul3A_105 : i32
      %get3A_135 = arith.index_cast %add3A_134 : i32 to index
      %get3A_136 = tpu.vector_load %arg8[%get3A_135] {strides = array<i32>} : memref<13312xf32, #tpu.memory_space<vmem>>, vector<16xf32>,
      %add3A_137 = arith.addf %add3A_132, %get3A_136 : vector<16xf32>
      %swap3A_138 = arith.index_cast %mul3A_105 : i32 to index
      %swap3A_139 = tpu.vector_load %arg9[%swap3A_138] {strides = array<i32>} : memref<512xf32, #tpu.memory_space<vmem>>, vector<16xf32>,
      tpu.vector_store %arg9[%swap3A_138], %add3A_137 {strides = array<i32>} : memref<512xf32, #tpu.memory_space<vmem>>, vector<16xf32>,
    }
    %scan3A_78 = arith.constant 32 : i32
    %dma_wait3A_79 = arith.constant 6656 : i32
    %dma_wait3A_80 = tpu.memref_slice %arg8[%dma_wait3A_79] : memref<13312xf32, #tpu.memory_space<vmem>> -> memref<3584xf32, #tpu.memory_space<vmem>>
    %dma_wait3A_81 = arith.constant 6656 : i32
    %dma_wait3A_82 = tpu.memref_slice %arg7[%dma_wait3A_81] : memref<13312xi32, #tpu.memory_space<vmem>> -> memref<3584xi32, #tpu.memory_space<vmem>>
    %dma_wait3A_83 = arith.constant 0 : i32
    %dma_wait3A_84 = tpu.memref_slice %arg6[%dma_wait3A_83] : memref<1000000xf32, #tpu.memory_space<vmem_shared>> -> memref<1000000xf32, #tpu.memory_space<vmem_shared>>
    tpu.wait_indirect_dma semaphore(%arg12 : memref<!tpu.dma_semaphore, #tpu.memory_space<semaphore_mem>>) src(%dma_wait3A_84 : memref<1000000xf32, #tpu.memory_space<vmem_shared>>) dst(%dma_wait3A_80 : memref<3584xf32, #tpu.memory_space<vmem>>)
    %scan3A_85 = arith.constant 0 : i32
    %scan3A_86 = arith.constant 32 : i32
    %scan3A_87 = arith.addi %scan3A_85, %scan3A_86 : i32
    %scan3A_88 = arith.constant 1 : i32
    scf.for %scan3A_103 = %scan3A_85 to %scan3A_87 step %scan3A_88  : i32 {
      %mul3A_104 = arith.constant 16 : i32
      %mul3A_105 = arith.muli %scan3A_103, %mul3A_104 : i32
      %get3A_106 = arith.index_cast %mul3A_105 : i32 to index
      %get3A_107 = tpu.vector_load %arg9[%get3A_106] {strides = array<i32>} : memref<512xf32, #tpu.memory_space<vmem>>, vector<16xf32>,
      %add3A_108 = arith.constant 6656 : i32
      %add3A_109 = arith.addi %add3A_108, %mul3A_105 : i32
      %get3A_110 = arith.index_cast %add3A_109 : i32 to index
      %get3A_111 = tpu.vector_load %arg8[%get3A_110] {strides = array<i32>} : memref<13312xf32, #tpu.memory_space<vmem>>, vector<16xf32>,
      %add3A_112 = arith.addf %get3A_107, %get3A_111 : vector<16xf32>
      %add3A_113 = arith.constant 7168 : i32
      %add3A_114 = arith.addi %add3A_113, %mul3A_105 : i32
      %get3A_115 = arith.index_cast %add3A_114 : i32 to index
      %get3A_116 = tpu.vector_load %arg8[%get3A_115] {strides = array<i32>} : memref<13312xf32, #tpu.memory_space<vmem>>, vector<16xf32>,
      %add3A_117 = arith.addf %add3A_112, %get3A_116 : vector<16xf32>
      %add3A_118 = arith.constant 7680 : i32
      %add3A_119 = arith.addi %add3A_118, %mul3A_105 : i32
      %get3A_120 = arith.index_cast %add3A_119 : i32 to index
      %get3A_121 = tpu.vector_load %arg8[%get3A_120] {strides = array<i32>} : memref<13312xf32, #tpu.memory_space<vmem>>, vector<16xf32>,
      %add3A_122 = arith.addf %add3A_117, %get3A_121 : vector<16xf32>
      %add3A_123 = arith.constant 8192 : i32
      %add3A_124 = arith.addi %add3A_123, %mul3A_105 : i32
      %get3A_125 = arith.index_cast %add3A_124 : i32 to index
      %get3A_126 = tpu.vector_load %arg8[%get3A_125] {strides = array<i32>} : memref<13312xf32, #tpu.memory_space<vmem>>, vector<16xf32>,
      %add3A_127 = arith.addf %add3A_122, %get3A_126 : vector<16xf32>
      %add3A_128 = arith.constant 8704 : i32
      %add3A_129 = arith.addi %add3A_128, %mul3A_105 : i32
      %get3A_130 = arith.index_cast %add3A_129 : i32 to index
      %get3A_131 = tpu.vector_load %arg8[%get3A_130] {strides = array<i32>} : memref<13312xf32, #tpu.memory_space<vmem>>, vector<16xf32>,
      %add3A_132 = arith.addf %add3A_127, %get3A_131 : vector<16xf32>
      %add3A_133 = arith.constant 9216 : i32
      %add3A_134 = arith.addi %add3A_133, %mul3A_105 : i32
      %get3A_135 = arith.index_cast %add3A_134 : i32 to index
      %get3A_136 = tpu.vector_load %arg8[%get3A_135] {strides = array<i32>} : memref<13312xf32, #tpu.memory_space<vmem>>, vector<16xf32>,
      %add3A_137 = arith.addf %add3A_132, %get3A_136 : vector<16xf32>
      %add3A_138 = arith.constant 9728 : i32
      %add3A_139 = arith.addi %add3A_138, %mul3A_105 : i32
      %get3A_140 = arith.index_cast %add3A_139 : i32 to index
      %get3A_141 = tpu.vector_load %arg8[%get3A_140] {strides = array<i32>} : memref<13312xf32, #tpu.memory_space<vmem>>, vector<16xf32>,
      %add3A_142 = arith.addf %add3A_137, %get3A_141 : vector<16xf32>
      %swap3A_143 = arith.index_cast %mul3A_105 : i32 to index
      %swap3A_144 = tpu.vector_load %arg9[%swap3A_143] {strides = array<i32>} : memref<512xf32, #tpu.memory_space<vmem>>, vector<16xf32>,
      tpu.vector_store %arg9[%swap3A_143], %add3A_142 {strides = array<i32>} : memref<512xf32, #tpu.memory_space<vmem>>, vector<16xf32>,
    }
    %scan3A_89 = arith.constant 32 : i32
    %dma_wait3A_90 = arith.constant 10240 : i32
    %dma_wait3A_91 = tpu.memref_slice %arg8[%dma_wait3A_90] : memref<13312xf32, #tpu.memory_space<vmem>> -> memref<3072xf32, #tpu.memory_space<vmem>>
    %dma_wait3A_92 = arith.constant 10240 : i32
    %dma_wait3A_93 = tpu.memref_slice %arg7[%dma_wait3A_92] : memref<13312xi32, #tpu.memory_space<vmem>> -> memref<3072xi32, #tpu.memory_space<vmem>>
    %dma_wait3A_94 = arith.constant 0 : i32
    %dma_wait3A_95 = tpu.memref_slice %arg6[%dma_wait3A_94] : memref<1000000xf32, #tpu.memory_space<vmem_shared>> -> memref<1000000xf32, #tpu.memory_space<vmem_shared>>
    tpu.wait_indirect_dma semaphore(%arg12 : memref<!tpu.dma_semaphore, #tpu.memory_space<semaphore_mem>>) src(%dma_wait3A_95 : memref<1000000xf32, #tpu.memory_space<vmem_shared>>) dst(%dma_wait3A_91 : memref<3072xf32, #tpu.memory_space<vmem>>)
    %scan3A_96 = arith.constant 0 : i32
    %scan3A_97 = arith.constant 32 : i32
    %scan3A_98 = arith.addi %scan3A_96, %scan3A_97 : i32
    %scan3A_99 = arith.constant 1 : i32
    scf.for %scan3A_103 = %scan3A_96 to %scan3A_98 step %scan3A_99  : i32 {
      %mul3A_104 = arith.constant 16 : i32
      %mul3A_105 = arith.muli %scan3A_103, %mul3A_104 : i32
      %get3A_106 = arith.index_cast %mul3A_105 : i32 to index
      %get3A_107 = tpu.vector_load %arg9[%get3A_106] {strides = array<i32>} : memref<512xf32, #tpu.memory_space<vmem>>, vector<16xf32>,
      %add3A_108 = arith.constant 10240 : i32
      %add3A_109 = arith.addi %add3A_108, %mul3A_105 : i32
      %get3A_110 = arith.index_cast %add3A_109 : i32 to index
      %get3A_111 = tpu.vector_load %arg8[%get3A_110] {strides = array<i32>} : memref<13312xf32, #tpu.memory_space<vmem>>, vector<16xf32>,
      %add3A_112 = arith.addf %get3A_107, %get3A_111 : vector<16xf32>
      %add3A_113 = arith.constant 10752 : i32
      %add3A_114 = arith.addi %add3A_113, %mul3A_105 : i32
      %get3A_115 = arith.index_cast %add3A_114 : i32 to index
      %get3A_116 = tpu.vector_load %arg8[%get3A_115] {strides = array<i32>} : memref<13312xf32, #tpu.memory_space<vmem>>, vector<16xf32>,
      %add3A_117 = arith.addf %add3A_112, %get3A_116 : vector<16xf32>
      %add3A_118 = arith.constant 11264 : i32
      %add3A_119 = arith.addi %add3A_118, %mul3A_105 : i32
      %get3A_120 = arith.index_cast %add3A_119 : i32 to index
      %get3A_121 = tpu.vector_load %arg8[%get3A_120] {strides = array<i32>} : memref<13312xf32, #tpu.memory_space<vmem>>, vector<16xf32>,
      %add3A_122 = arith.addf %add3A_117, %get3A_121 : vector<16xf32>
      %add3A_123 = arith.constant 11776 : i32
      %add3A_124 = arith.addi %add3A_123, %mul3A_105 : i32
      %get3A_125 = arith.index_cast %add3A_124 : i32 to index
      %get3A_126 = tpu.vector_load %arg8[%get3A_125] {strides = array<i32>} : memref<13312xf32, #tpu.memory_space<vmem>>, vector<16xf32>,
      %add3A_127 = arith.addf %add3A_122, %get3A_126 : vector<16xf32>
      %add3A_128 = arith.constant 12288 : i32
      %add3A_129 = arith.addi %add3A_128, %mul3A_105 : i32
      %get3A_130 = arith.index_cast %add3A_129 : i32 to index
      %get3A_131 = tpu.vector_load %arg8[%get3A_130] {strides = array<i32>} : memref<13312xf32, #tpu.memory_space<vmem>>, vector<16xf32>,
      %add3A_132 = arith.addf %add3A_127, %get3A_131 : vector<16xf32>
      %add3A_133 = arith.constant 12800 : i32
      %add3A_134 = arith.addi %add3A_133, %mul3A_105 : i32
      %get3A_135 = arith.index_cast %add3A_134 : i32 to index
      %get3A_136 = tpu.vector_load %arg8[%get3A_135] {strides = array<i32>} : memref<13312xf32, #tpu.memory_space<vmem>>, vector<16xf32>,
      %add3A_137 = arith.addf %add3A_132, %get3A_136 : vector<16xf32>
      %swap3A_138 = arith.index_cast %mul3A_105 : i32 to index
      %swap3A_139 = tpu.vector_load %arg9[%swap3A_138] {strides = array<i32>} : memref<512xf32, #tpu.memory_space<vmem>>, vector<16xf32>,
      tpu.vector_store %arg9[%swap3A_138], %add3A_137 {strides = array<i32>} : memref<512xf32, #tpu.memory_space<vmem>>, vector<16xf32>,
    }
    %scan3A_100 = arith.constant 32 : i32
    %mul3A_101 = arith.constant 512 : i32
    %mul3A_102 = arith.muli %add3A, %mul3A_101 : i32
    "tpu.region"() ({
      %run_scoped3A = tpu.sem_alloc : memref<!tpu.dma_semaphore, #tpu.memory_space<semaphore_mem>>
      %dma_start3A_103 = tpu.memref_slice %arg5[%mul3A_102] : memref<16384xf32, #tpu.memory_space<hbm>> -> memref<512xf32, #tpu.memory_space<hbm>>
      %dma_start3A_104 = tpu.memref_slice %arg5[%mul3A_102] : memref<16384xf32, #tpu.memory_space<hbm>> -> memref<512xf32, #tpu.memory_space<hbm>>
      tpu.enqueue_dma source(%arg9 : memref<512xf32, #tpu.memory_space<vmem>>) target(%dma_start3A_104 : memref<512xf32, #tpu.memory_space<hbm>>) target_semaphore(%run_scoped3A : memref<!tpu.dma_semaphore, #tpu.memory_space<semaphore_mem>>)
      %dma_wait3A_105 = tpu.memref_slice %arg5[%mul3A_102] : memref<16384xf32, #tpu.memory_space<hbm>> -> memref<512xf32, #tpu.memory_space<hbm>>
      %dma_wait3A_106 = tpu.memref_slice %arg5[%mul3A_102] : memref<16384xf32, #tpu.memory_space<hbm>> -> memref<512xf32, #tpu.memory_space<hbm>>
      tpu.wait_dma2 semaphore(%run_scoped3A : memref<!tpu.dma_semaphore, #tpu.memory_space<semaphore_mem>>) src(%arg9 : memref<512xf32, #tpu.memory_space<vmem>>) dst(%dma_wait3A_106 : memref<512xf32, #tpu.memory_space<hbm>>)
      tpu.yield
    }) : () -> ()
    return
  }
}

</mosaic_0001>

<sc_bundles>
// kernel: kernel.3.cloned.1.call-start
scs
__scs_entry_jumppad:
0x0: {  	(pc) =	sbr.rel $0x88, $3  }
0x1: {  	(tag) =	ssettag $0x0;
	lr =	simm.s32 $0x1  }
0x2: {  	[smem:$0x3F9E] =	sst lr;
	_ =	strace $0xD0000000  }
0x3: {  	_ = 	snop  }
0x4: {  	_ = 	snop  }
0x5: {  	_ = 	snop  }
0x6: {  	_ = 	snop  }
0x7: {  	_ = 	snop  }
__scs_overlays_trampoline_lowered:
0x8: {  	[smem:$0x3FAD] =	sst s0  }
0x9: {  	[smem:$0x3FAE] =	sst s1  }
0xa: {  	[smem:$0x3FAF] =	sst s2  }
0xb: {  	[smem:$0x3FB0] =	sst s3  }
0xc: {  	[smem:$0x3FB1] =	sst s4  }
0xd: {  	[smem:$0x3FB2] =	sst s5  }
0xe: {  	[smem:$0x3FB3] =	sst s6  }
0xf: {  	[smem:$0x3FB4] =	sst s7  }
0x10: {  	[smem:$0x3FB5] =	sst s8  }
0x11: {  	[smem:$0x3FB6] =	sst s9;
	s0 =	simm.s32 @!p0 $0x0  }
0x12: {  	s1 =	sld [smem:$0x3F9C];
	s0 =	simm.s32 @p0 $0x1  }
0x13: {  	[smem:$0x3FB7] =	sst s0;
	s0 =	simm.s32 @!p1 $0x0  }
0x14: {  	s2 =	sld [smem:$0x3F9B];
	s0 =	simm.s32 @p1 $0x1  }
0x15: {  	[smem:$0x3FB8] =	sst s0;
	s0 =	simm.s32 @!p2 $0x0  }
0x16: {  	s3 =	sld [smem:$0x3FDB];
	s0 =	simm.s32 @p2 $0x1  }
0x17: {  	s4 =	simm.s32 $0x1BF5;
	[smem:$0x3FBA] =	sst s0  }
0x18: {  	s0 =	sld [smem:$0x3F9D];
	_ =	swait.ge [sflag:s4], $0x0  }
0x19: {  	s7 =	sld [smem:$0x3F9E]  }
0x1a: {  	s8 =	sadd.s32 $0xFFFFE003, lr  }
0x1b: {  	s9 =	sadd.s32 $0xFFFFFEF7, lr;
	s5 =	simm.s32 $0xFFFFFFFF;
	p2 =	slt.u32 s8, $0xFFFFF086  }
0x1c: {  	p1 =	slt.u32 s9, $0xF7A;
	s5 =	simm.s32 @!p2 $0x0  }
0x1d: {  	s5 =	simm.s32 @p1 $0x1;
	p0 =	seq.s32 s7, s2  }
0x1e: {  	s7 =	smul.u32 @!p0 $0xF7A, s2;
	p2 =	seq.s32 @!p0 s5, $0x0  }
0x1f: {  	s9 =	smul.u32 $0xF7A, s1;
	s8 =	simm.s32 @!p0 $0x1BF5;
	p2 =	por !p2, p0  }
0x20: {  	[sflag:s8] =	ssyncset.s32 @!p0 $0xFFFFF086;
	s6 =	sadd.s32 @!p0 s3, s7;
	s7 =	simm.s32 @!p0 $0x108  }
0x21: {  	s3 =	sadd.s32 s3, s9;
	s6 =	sadd.s32 @!p0 $0x88, s6;
	s7 =	simm.s32 @p2 $0x1082  }
0x22: {  	[simem:s7], [sflag:s8] =	dma.local @!p0 [hbm:s6], $0xF7A  }
0x23: {  	s9 =	sor.u32 $0xD0000000, s2;
	s6 =	simm.s32 $0x108;
	_ =	swait.ge @!p0 [sflag:s8], $0x0  }
0x24: {  	s3 =	sadd.s32 $0x88, s3;
	s6 =	simm.s32 @!p1 $0x1082;
	[sflag:s4] =	ssyncset.s32 $0xFFFFF086  }
0x25: {  	[simem:s6], [sflag:s4] =	dma.local [hbm:s3], $0xF7A  }
0x26: {  	[smem:$0x3F9E] =	sst s1;
	(tag) =	ssettag s2;
	_ =	strace s9  }
0x27: {  	s1 =	sld [smem:$0x3FAE]  }
0x28: {  	s2 =	sld [smem:$0x3FAF]  }
0x29: {  	s4 =	sld [smem:$0x3FB1]  }
0x2a: {  	p0 =	seq.s32 s5, $0x0;
	s5 =	sld [smem:$0x3FB2]  }
0x2b: {  	s6 =	sld [smem:$0x3FB3]  }
0x2c: {  	s7 =	sld [smem:$0x3FB4]  }
0x2d: {  	s3 =	simm.s32 $0x108;
	s8 =	sld [smem:$0x3FB5]  }
0x2e: {  	s3 =	simm.s32 @!p0 $0x1082;
	s9 =	sld [smem:$0x3FB6]  }
0x2f: {  	lr =	sadd.s32 s0, s3;
	s0 =	sld [smem:$0x3FAD]  }
0x30: {  	s3 =	sld [smem:$0x3FB0]  }
0x31: {  	[smem:$0x3FB9] =	sst s10  }
0x32: {  	s10 =	sld [smem:$0x3FB7];
	_ =	sdelay $0x3  }
0x33: {  	p0 =	seq.s32 s10, $0x1;
	s10 =	sld [smem:$0x3FB9];
	_ =	sdelay $0x3  }
0x34: {  	[smem:$0x3FB9] =	sst s10  }
0x35: {  	s10 =	sld [smem:$0x3FB8];
	_ =	sdelay $0x3  }
0x36: {  	p1 =	seq.s32 s10, $0x1;
	s10 =	sld [smem:$0x3FB9];
	_ =	sdelay $0x3  }
0x37: {  	[smem:$0x3FB9] =	sst s10  }
0x38: {  	s10 =	sld [smem:$0x3FBA]  }
0x39: {  	_ = 	snop;
	(pc) =	sbr.ind lr, $3  }
0x3a: {  	_ = 	snop  }
0x3b: {  	_ = 	snop  }
0x3c: {  	p2 =	seq.s32 s10, $0x1;
	s10 =	sld [smem:$0x3FB9]  }
0x3d: {  	_ =	shalt  }
0x3e: {  	_ =	shalt  }
0x3f: {  	_ =	shalt  }
0x40: {  	_ =	shalt  }
0x41: {  	_ =	shalt  }
0x42: {  	_ =	shalt  }
0x43: {  	_ =	shalt  }
0x44: {  	_ =	shalt  }
0x45: {  	_ =	shalt  }
0x46: {  	_ =	shalt  }
0x47: {  	_ =	shalt  }
0x48: {  	_ =	shalt  }
0x49: {  	_ =	shalt  }
0x4a: {  	_ =	shalt  }
0x4b: {  	_ =	shalt  }
0x4c: {  	_ =	shalt  }
0x4d: {  	_ =	shalt  }
0x4e: {  	_ =	shalt  }
0x4f: {  	_ =	shalt  }
0x50: {  	_ =	shalt  }
0x51: {  	_ =	shalt  }
0x52: {  	_ =	shalt  }
0x53: {  	_ =	shalt  }
0x54: {  	_ =	shalt  }
0x55: {  	_ =	shalt  }
0x56: {  	_ =	shalt  }
0x57: {  	_ =	shalt  }
0x58: {  	_ =	shalt  }
0x59: {  	_ =	shalt  }
0x5a: {  	_ =	shalt  }
0x5b: {  	_ =	shalt  }
0x5c: {  	_ =	shalt  }
0x5d: {  	_ =	shalt  }
0x5e: {  	_ =	shalt  }
0x5f: {  	_ =	shalt  }
0x60: {  	_ =	shalt  }
0x61: {  	_ =	shalt  }
0x62: {  	_ =	shalt  }
0x63: {  	_ =	shalt  }
0x64: {  	_ =	shalt  }
0x65: {  	_ =	shalt  }
0x66: {  	_ =	shalt  }
0x67: {  	_ =	shalt  }
0x68: {  	_ =	shalt  }
0x69: {  	_ =	shalt  }
0x6a: {  	_ =	shalt  }
0x6b: {  	_ =	shalt  }
0x6c: {  	_ =	shalt  }
0x6d: {  	_ =	shalt  }
0x6e: {  	_ =	shalt  }
0x6f: {  	_ =	shalt  }
0x70: {  	_ =	shalt  }
0x71: {  	_ =	shalt  }
0x72: {  	_ =	shalt  }
0x73: {  	_ =	shalt  }
0x74: {  	_ =	shalt  }
0x75: {  	_ =	shalt  }
0x76: {  	_ =	shalt  }
0x77: {  	_ =	shalt  }
0x78: {  	_ =	shalt  }
0x79: {  	_ =	shalt  }
0x7a: {  	_ =	shalt  }
0x7b: {  	_ =	shalt  }
0x7c: {  	_ =	shalt  }
0x7d: {  	_ =	shalt  }
0x7e: {  	_ =	shalt  }
0x7f: {  	_ =	shalt  }
0x80: {  	_ =	shalt  }
0x81: {  	_ =	shalt  }
0x82: {  	_ =	shalt  }
0x83: {  	_ =	shalt  }
0x84: {  	_ =	shalt  }
0x85: {  	_ =	shalt  }
0x86: {  	_ =	shalt  }
0x87: {  	_ =	shalt  }
.Lfunc_end0:
.L_simem_size_0:
called_computation_lowered:
.L_overlay_start_0:
0x88: {  	s2 =	sld [smem:$0x3FD9]  }
0x89: {  	s3 =	sld [smem:$0x3FFE];
	_ =	sdelay $0x1  }
0x8a: {  	s1 =	srdreg.scid  }
0x8b: {  	s0 =	sand.u32 $0x1, s1  }
0x8c: {  	s18 =	sshll.u32 s0, $0xA;
	s2 =	sadd.s32 s3, s2  }
0x8d: {  	s2 =	sadd.s32 s2, s18  }
0x8e: {  	[smem:$0x3FC5] =	sst s2  }
0x8f: {  	_ = 	snop  }
0x90: {  	s2 =	sld [smem:$0x3FC9]  }
0x91: {  	s19 =	sld [smem:$0x3FC8]  }
0x92: {  	s4 =	sld [smem:$0x3FC7]  }
0x93: {  	s5 =	sld [smem:$0x3FD0];
	(tm) =	ssettm $0x1  }
0x94: {  	s6 =	sld [smem:$0x3FFB];
	_ =	sdelay $0x3  }
0x95: {  	_ =	strace s6  }
0x96: {  	s6 =	sld [smem:$0x3FFC];
	_ =	sdelay $0x3  }
0x97: {  	_ =	strace s6  }
0x98: {  	s6 =	sld [smem:$0x3FFD];
	_ =	sdelay $0x3  }
0x99: {  	_ =	strace s6  }
0x9a: {  	_ =	strace $0x8FFFFFFF  }
0x9b: {  	s20 =	sld [smem:$0x3FDB];
	_ =	sdelay $0x1  }
0x9c: {  	s7 =	simm.s32 $_scs_section_size  }
0x9d: {  	s8 =	simm.s32 $_size__tile_overlayer_lowered;
	s9 =	simm.s32 $_tile_overlayer_lowered  }
0x9e: {  	s23 =	simm.s32 $0x1BFF;
	s22 =	sshll.u32 s9, $0x1;
	s6 =	sadd.s32 s7, s20  }
0x9f: {  	s10 =	simm.s32 $0x0;
	s21 =	sshll.u32 s8, $0x1;
	s8 =	sadd.s32 s22, s6  }
0xa0: {  	[timem:s10], [sflag:s23] =	dma.local [hbm:s8], s21  }
0xa1: {  	_ =	swait.ge [sflag:s23], s21  }
0xa2: {  	s7 =	ssub.s32 $0x0, s21;
	[sflag:s23] =	ssyncset.done $0x0  }
0xa3: {  	[sflag:s23] =	ssyncadd.s32 s7;
	_ =	sdelay $0x1  }
0xa4: {  	s24 =	simm.s32 $0x1B8B  }
0xa5: {  	_ =	swait.ge [sflag:s24], $0x1  }
0xa6: {  	[sflag:s24] =	ssyncset.done $0x0  }
0xa7: {  	s25 =	simm.s32 $0x1B8E;
	[sflag:s24] =	ssyncadd.s32 $0xFFFFFFFF  }
0xa8: {  	s26 =	simm.s32 $execute0_lowered;
	[smem:$0x3FD2] =	sst s25  }
0xa9: {  	s7 =	sshll.u32 s26, $0x1;
	_ =	strace $0x80000046;
	[dreg:$0x1] =	wrdreg $0xFFFFFFFF  }
0xaa: {  	s28 =	simm.s32 $_size_execute0_lowered;
	s6 =	sadd.s32 s6, s7;
	[dreg:$0x0] =	wrdreg $0x0  }
0xab: {  	s7 =	sshll.u32 s28, $0x1;
	[dreg:$0x2] =	wrdreg s6  }
0xac: {  	[dreg:$0x3] =	wrdreg s7  }
0xad: {  	[dreg:$0x4] =	wrdreg $0xC0  }
0xae: {  	_ =	task [dreg:s10], $0x5FFFF  }
0xaf: {  	[dreg:$0x1] =	wrdreg $0xFFFFFFFF  }
0xb0: {  	[dreg:$0x0] =	wrdreg $0x60  }
0xb1: {  	[dreg:$0x2] =	wrdreg s2  }
0xb2: {  	[dreg:$0x3] =	wrdreg s19  }
0xb3: {  	[dreg:$0x4] =	wrdreg s4  }
0xb4: {  	[dreg:$0x5] =	wrdreg s5  }
0xb5: {  	[dreg:$0x6] =	wrdreg $0x0  }
0xb6: {  	[dreg:$0x7] =	wrdreg $0x9  }
0xb7: {  	_ =	task.clear_ibuf [dreg:s10], $0x8FFFF;
	_ =	strace $0x90000046  }
0xb8: {  	s29 =	simm.s32 $0x9;
	_ =	strace $0x80000048  }
0xb9: {  	_ =	swait.ge [sflag:s29], $0x1  }
0xba: {  	[sflag:s29] =	ssyncadd.s32 $0xFFFFFFFF  }
0xbb: {  	_ =	strace $0x90000048  }
0xbc: {  	_ =	sfence  }
0xbd: {  	s30 =	sld [smem:$0x0];
	_ =	sdelay $0x2  }
0xbe: {  	s31 =	sshll.u32 s1, $0xD;
	s1 =	sshrl.u32 s1, $0x2  }
0xbf: {  	s3 =	sand.u32 $0x4000, s31;
	s1 =	sadd.s32 s1, s30  }
0xc0: {  	s0 =	sor.u32 s3, s0;
	s1 =	sshll.u32 s1, $0x11  }
0xc1: {  	s0 =	sor.u32 s1, s0  }
0xc2: {  	s0 =	sadd.s32 $0x8F2B, s0  }
0xc3: {  	[sflag:s0] =	ssyncadd.remote.s32 $0x1  }
0xc4: {  	_ =	sfence.sel $0xFFFF  }
0xc5: {  	[dreg:$0x0] =	wrdreg $0xFFFFFFFF;
	(pc) =	sbr.abs _section_cstart, $3  }
0xc6: {  	[dreg:$0x1] =	wrdreg $0xFFFFFFFF  }
0xc7: {  	_ =	task.clear_ibuf [dreg:s10], $0x2FFFF;
	_ =	strace $0x9FFFFFFF  }
0xc8: {  	(tm) =	ssettm $0x7FFFFFFF  }
0xc9: {  	_ =	shalt  }
tec
execute0_lowered:
.L_overlay_start_1:
0x0: {  	(tag) =	ssettag $0x1  }
0x1: {  	s0 =	rddreg [dreg:$0x0]  }
0x2: {  	s1 =	rddreg [dreg:$0x1]  }
0x3: {  	s9 =	rddreg [dreg:$0x3]  }
0x4: {  	s2 =	rddreg [dreg:$0x4]  }
0x5: {  	s3 =	srdreg.scid;
	s14 =	stileid.u32;
	s12 =	simm.s32 $0x80  }
0x6: {  	s13 =	simm.s32 $0x400;
	s15 =	simm.s32 $0x4;
	s16 =	simm.s32 $0x3  }
0x7: {  	s17 =	simm.s32 $0x1;
	s18 =	simm.s32 $0xE00;
	s20 =	simm.s32 $0xC00  }
0x8: {  	s21 =	simm.s32 $0x10228;
	s22 =	simm.s32 $0x13628;
	s28 =	simm.s32 $0x2  }
0x9: {  	s29 =	simm.s32 $0x15C28;
	s30 =	simm.s32 $0x0;
	s4 =	sand.u32 $0x1, s3  }
0xa: {  	s3 =	simm.s32 $0x0;
	s6 =	smul.u32 $0xF400, s14;
	s24 =	sshll.u32 s14, $0xA  }
0xb: {  	s26 =	sshll.u32 s14, $0x6;
	s8 =	sadd.s32 $0xF4000, s2;
	p0 =	sne.s32 s14, $0x0  }
0xc: {  	s5 =	ssub.s32 $0x2, s4;
	[smem:$0x7FF] =	sst s3;
	s25 =	sshll.u32 s4, $0x9  }
0xd: {  	s7 =	sshrl.u32 s5, $0x1;
	_ =	strace $0x80000047;
	s23 =	sshrl.u32 s6, $0x3  }
0xe: {  	s11 =	sadd.s32 s6, s2;
	s10 =	ssub.s32 s5, s7;
	s4 =	sadd.s32 s1, s23  }
0xf: {  	s7 =	sor.u32 s25, s24;
	s5 =	sor.u32 $0x1C01, s26;
	s11 =	sshrl.u32 s11, $0x3  }
0x10: {  	s23 =	simm.s32 $0x10E28;
	s24 =	simm.s32 $0x14228;
	s25 =	simm.s32 $0x11C28  }
0x11: {  	s26 =	simm.s32 $0x15028;
	s6 =	sadd.s32 s0, s7;
	s31 =	sshrl.u32 s7, $0x3  }
0x12: {  	v0 =	vimm.f32 $0.0e+00;
	s7 =	sadd.s32 $0x1E800, s1;
	s10 =	smax.u32 s10, $0x1;
	s9 =	sadd.s32 s9, s31  }
.LBB2_1:
0x13: {  	[spmem:s11], [sflag:s5] =	dma.local [hbm:s4], $0x1E80  }
0x14: {  	s0 =	sand.u32 $0xC000, s3;
	s1 =	sand.u32 $0x70, s3  }
0x15: {  	s0 =	sor.u32 s1, s0  }
0x16: {  	s31 =	simm.s32 $0xF428;
	s0 =	sadd.s32 s0, s6  }
0x17: {  	[tilespmem:s31], [sflag:$0x3] =	stream.strided.gather [hbm4b:s0+s12], $0x200, s13, s12, $0x38;
	[tilespmem:$0x15EA8] =	vst v63  }
0x18: {  	s1 =	simm.s32 $0x0;
	s0 =	simm.s32 $0x800  }
.LBB2_2:
0x19: {  	s14 =	sand.u32 $0xC000, s0;
	p1 =	sne.s32 s0, $0xC800  }
.Ltmp0:
0x1a: {  	s1 =	sadd.s32 $0x10, s1;
	s31 =	smov.u32 s0;
	(pc) =	sbr.rel @p1 .LBB2_2-.Ltmp0, $4  }
0x1b: {  	s0 =	sadd.s32 $0x800, s0;
	s19 =	sand.u32 $0x70, s1  }
0x1c: {  	s14 =	sor.u32 s19, s14;
	s19 =	sshra.s32 s31, $0x2  }
0x1d: {  	s19 =	sadd.s32 $0xF428, s19;
	s14 =	sadd.s32 s14, s6  }
0x1e: {  	[tilespmem:s19], [sflag:$0x3] =	stream.strided.gather [hbm4b:s14+s12], $0x200, s13, s12, $0x38;
	[tilespmem:$0x15EA8] =	vst v63  }
0x1f: {  	[tilespmem:$0x15E28] =	vst v0;
	s0 =	rddreg [dreg:$0x2];
	s1 =	simm.s32 $0x15E28  }
0x20: {  	[tilespmem:s1], [sflag:$0x4] =	stream.linear.gather [hbm4b:s0+s3], $0x1, $0x38;
	[tilespmem:$0x15EA8] =	vst v63  }
0x21: {  	_ =	swait.ge [sflag:s15], $0x1  }
0x22: {  	[sflag:s15] =	ssyncset.done $0x0  }
0x23: {  	s0 =	simm.s32 @!p0 $0x0;
	s1 =	simm.s32 @!p0 $0x12828;
	[sflag:s15] =	ssyncadd.s32 $0xFFFFFFFF  }
0x24: {  	[tilespmem:s1], [sflag:$0x4] =	stream.linear.gather @!p0 [hbm4b:s7+s0], $0x240, $0x38;
	[tilespmem:$0x15EA8] =	vst v63  }
0x25: {  	s0 =	simm.s32 @!p0 $0x4  }
0x26: {  	_ =	swait.ge @!p0 [sflag:s0], $0x240  }
0x27: {  	[sflag:s0] =	ssyncset.done @!p0 $0x0  }
0x28: {  	[sflag:s0] =	ssyncadd.s32 @!p0 $0xFFFFFDC0  }
0x29: {  	[spmem:s8] =	stream.linear.scatter @!p0 [tilespmem:s1], [sflag:$0x4], $0x240, $0x38;
	[tilespmem:$0x15EA8] =	vst v63  }
0x2a: {  	_ =	swait.ge @!p0 [sflag:s0], $0x240  }
0x2b: {  	[sflag:s0] =	ssyncset.done @!p0 $0x0  }
0x2c: {  	[sflag:s0] =	ssyncadd.s32 @!p0 $0xFFFFFDC0  }
0x2d: {  	_ =	swait.ge [sflag:s16], $0x3400  }
0x2e: {  	[sflag:s16] =	ssyncset.done $0x0  }
0x2f: {  	[sflag:s16] =	ssyncadd.s32 $0xFFFFCC00  }
0x30: {  	_ =	swait.ge [sflag:s17], $0x1E80  }
0x31: {  	[sflag:s17] =	ssyncset.done $0x0  }
0x32: {  	[sflag:s17] =	ssyncadd.s32 $0xFFFFE180  }
0x33: {  	s19 =	simm.s32 $0xF428;
	s0 =	simm.s32 $0x12828;
	[bflag:$0x0] =	sbarrier.arrive $0xFFFF  }
0x34: {  	[tilespmem:s0], [sflag:$0x2] =	stream.indirect.gather [spmem:s2], $0x1, s19, s18, $0xb8;
	[tilespmem:$0x15EA8] =	vst v63  }
0x35: {  	_ = 	snop  }
0x36: {  	[tilespmem:s22], [sflag:$0x2] =	stream.indirect.gather [spmem:s2], $0x1, s21, s20, $0xb8;
	[tilespmem:$0x15EA8] =	vst v63  }
0x37: {  	_ = 	snop  }
0x38: {  	[tilespmem:s24], [sflag:$0x2] =	stream.indirect.gather [spmem:s2], $0x1, s23, s18, $0xb8;
	[tilespmem:$0x15EA8] =	vst v63  }
0x39: {  	_ = 	snop  }
0x3a: {  	[tilespmem:s26], [sflag:$0x2] =	stream.indirect.gather [spmem:s2], $0x1, s25, s20, $0xb8;
	[tilespmem:$0x15EA8] =	vst v63  }
0x3b: {  	v1 =	vld [tilespmem:$0x15E28];
	_ =	sdelay $0x4  }
0x3c: {  	(xrf2) =	vadd.scan.msk.f32 $0xffff, v1;
	_ =	sdelay $0x9  }
0x3d: {  	v1, _, _ =	vpop (xrf2)  }
0x3e: {  	_ =	swait.ge [sflag:s28], $0xE00  }
0x3f: {  	[sflag:s28] =	ssyncset.done $0x0  }
0x40: {  	[sflag:s28] =	ssyncadd.s32 $0xFFFFF200  }
0x41: {  	s14 =	simm.s32 $0x0;
	v2 =	vld [tilespmem:s0+$0x0]  }
0x42: {  	s19 =	sand.u32 $0x1F0, s14  }
0x43: {  	v3 =	vld [tilespmem:s19+$0x12A28]  }
0x44: {  	v1 =	vbroadcast v1, $0xF  }
0x45: {  	v4 =	vld [tilespmem:s19+$0x12C28]  }
0x46: {  	v2 =	vadd.f32 v2, v1  }
0x47: {  	v5 =	vld [tilespmem:s19+$0x12E28]  }
0x48: {  	v2 =	vadd.f32 v3, v2  }
0x49: {  	v3 =	vld [tilespmem:s19+$0x13028]  }
0x4a: {  	v2 =	vadd.f32 v4, v2  }
0x4b: {  	v62 =	vld [tilespmem:s19+$0x13228]  }
0x4c: {  	v2 =	vadd.f32 v5, v2  }
0x4d: {  	v63 =	vld [tilespmem:s19+$0x13428]  }
0x4e: {  	v2 =	vadd.f32 v3, v2;
	_ =	sdelay $0x1  }
0x4f: {  	v2 =	vadd.f32 v62, v2;
	_ =	sdelay $0x1  }
0x50: {  	v2 =	vadd.f32 v63, v2  }
0x51: {  	s31 =	simm.s32 $0x15C28  }
0x52: {  	s0 =	simm.s32 $0x12838;
	[tilespmem:s31+$0x0] =	vst v2  }
0x53: {  	s1 =	simm.s32 $0x10;
	s14 =	simm.s32 $0x20;
	v2 =	vld [tilespmem:s0+$0x0]  }
.LBB2_4:
0x54: {  	p1 =	sne.s32 s14, $0x1F0;
	s19 =	sand.u32 $0x1F0, s1;
	s1 =	smov.u32 s14  }
0x55: {  	v3 =	vld [tilespmem:s19+$0x12A28];
	_ =	sdelay $0x1  }
0x56: {  	v4 =	vld [tilespmem:s19+$0x12C28]  }
0x57: {  	v2 =	vadd.f32 v2, v1  }
0x58: {  	v5 =	vld [tilespmem:s19+$0x12E28]  }
0x59: {  	v2 =	vadd.f32 v3, v2  }
0x5a: {  	v3 =	vld [tilespmem:s19+$0x13028]  }
0x5b: {  	v2 =	vadd.f32 v4, v2  }
0x5c: {  	v4 =	vld [tilespmem:s19+$0x13228]  }
0x5d: {  	v2 =	vadd.f32 v5, v2  }
0x5e: {  	v5 =	vld [tilespmem:s19+$0x13428]  }
0x5f: {  	v2 =	vadd.f32 v3, v2;
	_ =	sdelay $0x1  }
0x60: {  	v2 =	vadd.f32 v4, v2  }
.Ltmp1:
0x61: {  	(pc) =	sbr.rel @p1 .LBB2_4-.Ltmp1, $4  }
0x62: {  	v2 =	vadd.f32 v5, v2  }
0x63: {  	s31 =	sadd.s32 $0x10, s31  }
0x64: {  	s0 =	sadd.s32 $0x10, s0;
	[tilespmem:s31+$0x0] =	vst v2  }
0x65: {  	s14 =	sadd.s32 $0x10, s14;
	v2 =	vld [tilespmem:s0+$0x0]  }
0x66: {  	s0 =	sand.u32 $0x1F0, s1  }
0x67: {  	v3 =	vld [tilespmem:s0+$0x12A28];
	_ =	sdelay $0x1  }
0x68: {  	v4 =	vld [tilespmem:s0+$0x12C28]  }
0x69: {  	v1 =	vadd.f32 v2, v1  }
0x6a: {  	v2 =	vld [tilespmem:s0+$0x12E28]  }
0x6b: {  	v1 =	vadd.f32 v3, v1  }
0x6c: {  	v3 =	vld [tilespmem:s0+$0x13028]  }
0x6d: {  	v1 =	vadd.f32 v4, v1  }
0x6e: {  	v63 =	vld [tilespmem:s0+$0x13228]  }
0x6f: {  	v1 =	vadd.f32 v2, v1  }
0x70: {  	v2 =	vld [tilespmem:s0+$0x13428]  }
0x71: {  	v1 =	vadd.f32 v3, v1;
	_ =	sdelay $0x1  }
0x72: {  	v1 =	vadd.f32 v63, v1;
	_ =	sdelay $0x1  }
0x73: {  	v1 =	vadd.f32 v2, v1  }
0x74: {  	s14 =	sadd.s32 $0x10, s31  }
0x75: {  	[tilespmem:s14+$0x0] =	vst v1  }
0x76: {  	_ =	swait.ge [sflag:s28], $0xC00  }
0x77: {  	s19 =	simm.s32 $0x0;
	[sflag:s28] =	ssyncset.done $0x0  }
0x78: {  	s0 =	sand.u32 $0x1F0, s19;
	[sflag:s28] =	ssyncadd.s32 $0xFFFFF400  }
0x79: {  	s31 =	simm.s32 $0x15C28;
	s1 =	simm.s32 $0x10;
	v1 =	vld [tilespmem:s0+$0x13628]  }
.LBB2_6:
0x7a: {  	p1 =	sne.s32 s1, $0x1F0;
	v2 =	vld [tilespmem:s31+$0x0];
	_ =	sdelay $0x1  }
0x7b: {  	v3 =	vld [tilespmem:s0+$0x13828];
	_ =	sdelay $0x1  }
0x7c: {  	v4 =	vld [tilespmem:s0+$0x13A28]  }
0x7d: {  	v1 =	vadd.f32 v1, v2  }
0x7e: {  	v2 =	vld [tilespmem:s0+$0x13C28]  }
0x7f: {  	v1 =	vadd.f32 v3, v1  }
0x80: {  	v3 =	vld [tilespmem:s0+$0x13E28]  }
0x81: {  	v1 =	vadd.f32 v4, v1  }
0x82: {  	v4 =	vld [tilespmem:s0+$0x14028]  }
0x83: {  	v1 =	vadd.f32 v2, v1;
	_ =	sdelay $0x1  }
0x84: {  	v1 =	vadd.f32 v3, v1  }
.Ltmp2:
0x85: {  	(pc) =	sbr.rel @p1 .LBB2_6-.Ltmp2, $3  }
0x86: {  	v1 =	vadd.f32 v4, v1;
	_ =	sdelay $0x1  }
0x87: {  	s0 =	sand.u32 $0x1F0, s1;
	[tilespmem:s31+$0x0] =	vst v1  }
0x88: {  	s1 =	sadd.s32 $0x10, s1;
	s31 =	sadd.s32 $0x10, s31;
	v1 =	vld [tilespmem:s0+$0x13628]  }
0x89: {  	v2 =	vld [tilespmem:s31+$0x0];
	_ =	sdelay $0x1  }
0x8a: {  	v3 =	vld [tilespmem:s0+$0x13828];
	_ =	sdelay $0x1  }
0x8b: {  	v4 =	vld [tilespmem:s0+$0x13A28]  }
0x8c: {  	v1 =	vadd.f32 v1, v2  }
0x8d: {  	v2 =	vld [tilespmem:s0+$0x13C28]  }
0x8e: {  	v1 =	vadd.f32 v3, v1  }
0x8f: {  	v3 =	vld [tilespmem:s0+$0x13E28]  }
0x90: {  	v1 =	vadd.f32 v4, v1  }
0x91: {  	v63 =	vld [tilespmem:s0+$0x14028]  }
0x92: {  	v1 =	vadd.f32 v2, v1;
	_ =	sdelay $0x1  }
0x93: {  	v1 =	vadd.f32 v3, v1;
	_ =	sdelay $0x1  }
0x94: {  	v1 =	vadd.f32 v63, v1;
	_ =	sdelay $0x1  }
0x95: {  	[tilespmem:s31+$0x0] =	vst v1  }
0x96: {  	_ =	swait.ge [sflag:s28], $0xE00  }
0x97: {  	s19 =	simm.s32 $0x0;
	[sflag:s28] =	ssyncset.done $0x0  }
0x98: {  	s0 =	sand.u32 $0x1F0, s19;
	[sflag:s28] =	ssyncadd.s32 $0xFFFFF200  }
0x99: {  	s1 =	simm.s32 $0x10;
	s31 =	simm.s32 $0x15C28;
	v1 =	vld [tilespmem:s0+$0x14228]  }
.LBB2_8:
0x9a: {  	p1 =	sne.s32 s1, $0x1F0;
	v2 =	vld [tilespmem:s31+$0x0];
	_ =	sdelay $0x1  }
0x9b: {  	v3 =	vld [tilespmem:s0+$0x14428];
	_ =	sdelay $0x1  }
0x9c: {  	v4 =	vld [tilespmem:s0+$0x14628]  }
0x9d: {  	v1 =	vadd.f32 v1, v2  }
0x9e: {  	v2 =	vld [tilespmem:s0+$0x14828]  }
0x9f: {  	v1 =	vadd.f32 v3, v1  }
0xa0: {  	v3 =	vld [tilespmem:s0+$0x14A28]  }
0xa1: {  	v1 =	vadd.f32 v4, v1  }
0xa2: {  	v4 =	vld [tilespmem:s0+$0x14C28]  }
0xa3: {  	v1 =	vadd.f32 v2, v1  }
0xa4: {  	v2 =	vld [tilespmem:s0+$0x14E28]  }
0xa5: {  	v1 =	vadd.f32 v3, v1;
	_ =	sdelay $0x1  }
0xa6: {  	v1 =	vadd.f32 v4, v1  }
.Ltmp3:
0xa7: {  	(pc) =	sbr.rel @p1 .LBB2_8-.Ltmp3, $3  }
0xa8: {  	v1 =	vadd.f32 v2, v1;
	_ =	sdelay $0x1  }
0xa9: {  	s0 =	sand.u32 $0x1F0, s1;
	[tilespmem:s31+$0x0] =	vst v1  }
0xaa: {  	s1 =	sadd.s32 $0x10, s1;
	s31 =	sadd.s32 $0x10, s31;
	v1 =	vld [tilespmem:s0+$0x14228]  }
0xab: {  	v2 =	vld [tilespmem:s31+$0x0];
	_ =	sdelay $0x1  }
0xac: {  	v3 =	vld [tilespmem:s0+$0x14428];
	_ =	sdelay $0x1  }
0xad: {  	v4 =	vld [tilespmem:s0+$0x14628]  }
0xae: {  	v1 =	vadd.f32 v1, v2  }
0xaf: {  	v2 =	vld [tilespmem:s0+$0x14828]  }
0xb0: {  	v1 =	vadd.f32 v3, v1  }
0xb1: {  	v3 =	vld [tilespmem:s0+$0x14A28]  }
0xb2: {  	v1 =	vadd.f32 v4, v1  }
0xb3: {  	v63 =	vld [tilespmem:s0+$0x14C28]  }
0xb4: {  	v1 =	vadd.f32 v2, v1  }
0xb5: {  	v2 =	vld [tilespmem:s0+$0x14E28]  }
0xb6: {  	v1 =	vadd.f32 v3, v1;
	_ =	sdelay $0x1  }
0xb7: {  	v1 =	vadd.f32 v63, v1;
	_ =	sdelay $0x1  }
0xb8: {  	v1 =	vadd.f32 v2, v1;
	_ =	sdelay $0x1  }
0xb9: {  	[tilespmem:s31+$0x0] =	vst v1  }
0xba: {  	_ =	swait.ge [sflag:s28], $0xC00  }
0xbb: {  	s19 =	simm.s32 $0x0;
	[sflag:s28] =	ssyncset.done $0x0  }
0xbc: {  	s0 =	sand.u32 $0x1F0, s19;
	[sflag:s28] =	ssyncadd.s32 $0xFFFFF400  }
0xbd: {  	s1 =	simm.s32 $0x10;
	s31 =	simm.s32 $0x15C28;
	v1 =	vld [tilespmem:s0+$0x15028]  }
.LBB2_10:
0xbe: {  	p1 =	sne.s32 s1, $0x1F0;
	v2 =	vld [tilespmem:s31+$0x0];
	_ =	sdelay $0x1  }
0xbf: {  	v3 =	vld [tilespmem:s0+$0x15228];
	_ =	sdelay $0x1  }
0xc0: {  	v4 =	vld [tilespmem:s0+$0x15428]  }
0xc1: {  	v1 =	vadd.f32 v1, v2  }
0xc2: {  	v2 =	vld [tilespmem:s0+$0x15628]  }
0xc3: {  	v1 =	vadd.f32 v3, v1  }
0xc4: {  	v3 =	vld [tilespmem:s0+$0x15828]  }
0xc5: {  	v1 =	vadd.f32 v4, v1  }
0xc6: {  	v4 =	vld [tilespmem:s0+$0x15A28]  }
0xc7: {  	v1 =	vadd.f32 v2, v1;
	_ =	sdelay $0x1  }
0xc8: {  	v1 =	vadd.f32 v3, v1  }
.Ltmp4:
0xc9: {  	(pc) =	sbr.rel @p1 .LBB2_10-.Ltmp4, $3  }
0xca: {  	v1 =	vadd.f32 v4, v1;
	_ =	sdelay $0x1  }
0xcb: {  	s0 =	sand.u32 $0x1F0, s1;
	[tilespmem:s31+$0x0] =	vst v1  }
0xcc: {  	s1 =	sadd.s32 $0x10, s1;
	s31 =	sadd.s32 $0x10, s31;
	v1 =	vld [tilespmem:s0+$0x15028]  }
0xcd: {  	v2 =	vld [tilespmem:s31+$0x0];
	_ =	sdelay $0x1  }
0xce: {  	v3 =	vld [tilespmem:s0+$0x15228];
	_ =	sdelay $0x1  }
0xcf: {  	v4 =	vld [tilespmem:s0+$0x15428]  }
0xd0: {  	v1 =	vadd.f32 v1, v2  }
0xd1: {  	v2 =	vld [tilespmem:s0+$0x15628]  }
0xd2: {  	v1 =	vadd.f32 v3, v1  }
0xd3: {  	v3 =	vld [tilespmem:s0+$0x15828]  }
0xd4: {  	v1 =	vadd.f32 v4, v1  }
0xd5: {  	v63 =	vld [tilespmem:s0+$0x15A28]  }
0xd6: {  	v1 =	vadd.f32 v2, v1;
	_ =	sdelay $0x1  }
0xd7: {  	v1 =	vadd.f32 v3, v1;
	_ =	sdelay $0x1  }
0xd8: {  	s30 =	sadd.s32 $0x1, s30;
	v1 =	vadd.f32 v63, v1  }
0xd9: {  	p1 =	sne.s32 s30, s10  }
.Ltmp5:
0xda: {  	[tilespmem:s31+$0x0] =	vst v1;
	(pc) =	sbr.rel @p1 .LBB2_1-.Ltmp5, $4  }
0xdb: {  	[hbm4b:s9+s3] =	stream.linear.scatter [tilespmem:s29], [sflag:$0x4], $0x200, $0x38;
	[tilespmem:$0x15EA8] =	vst v63  }
0xdc: {  	_ =	swait.ge [sflag:s15], $0x200  }
0xdd: {  	[sflag:s15] =	ssyncset.done $0x0  }
0xde: {  	[sflag:s15] =	ssyncadd.s32 $0xFFFFFE00  }
0xdf: {  	_ =	sfence.sel $0x180000  }
0xe0: {  	[bflag:$0x0] =	sbarrier.arrive $0xFFFF  }
0xe1: {  	_ =	strace $0x90000047  }
0xe2: {  	[bflag:$0x2] =	sbarrier.arrive $0xFFFF  }
0xe3: {  	s0 =	rddreg [dreg:$0x5]  }
0xe4: {  	s0 =	sadd.s32 @!p0 $0x100000, s0  }
0xe5: {  	[sflag:s0] =	ssyncadd.tile.s32 @!p0 $0x1;
	_ =	shalt  }
.Lfunc_end2:
_tile_overlayer_lowered:
.L_overlay_start_2:
0xe6: {  	(tag) =	ssettag $0x2  }
0xe7: {  	s0 =	rddreg [dreg:$0x0];
	s2 =	stileid.u32  }
0xe8: {  	s1 =	rddreg [dreg:$0x1];
	p0 =	sne.s32 s2, $0x0  }
0xe9: {  	s3 =	rddreg [dreg:$0x2];
	[bflag:$0x3] =	sbarrier.arrive $0xFFFF;
	s2 =	simm.s32 @!p0 $0x1C04  }
0xea: {  	[timem:s3], [sflag:s2] =	dma.local @!p0 [hbm:s0], s1  }
0xeb: {  	s0 =	simm.s32 @!p0 $0x4  }
0xec: {  	_ =	swait.ge @!p0 [sflag:s0], s1  }
0xed: {  	s1 =	ssub.s32 @!p0 $0x0, s1;
	[sflag:s0] =	ssyncset.done @!p0 $0x0  }
0xee: {  	[sflag:s0] =	ssyncadd.s32 @!p0 s1  }
0xef: {  	[bflag:$0x3] =	sbarrier.arrive $0xFFFF  }
0xf0: {  	_ =	shalt  }

</sc_bundles>
